<compile_context>
chip_gen: v7x
topology: tpu7x:2x2x1
jax: 0.10.2.dev20260603
libtpu: 0.0.44.dev20260713+nightly
codegen_flags: <defaults>
</compile_context>

<pallas_src>
import functools

import jax
import jax.numpy as jnp
import numpy as np
from jax.experimental import pallas as pl
from jax.experimental.pallas import tpu as pltpu

_B = 16
_T, _H, _W = 16, 32, 64
_N = _T * _H * _W
_D = 8
_E = 8
_HID = 128
_SIZES = {'t': _T, 'h': _H, 'w': _W}
_TILE = 2048
_ROWS = _B * _N
_G = _ROWS // _TILE


def _marginal_sched(key, ax):
    size = _SIZES[ax]
    conc = jnp.full((_B, size), 1.0, dtype=jnp.float32)
    lp = jnp.log(jax.random.dirichlet(key, conc) + 1e-20)
    if ax == 't':
        g = lp[:, :, None, None]
    elif ax == 'h':
        g = lp[:, None, :, None]
    else:
        g = lp[:, None, None, :]
    return jnp.broadcast_to(g, (_B, _T, _H, _W)).reshape(_B, _N)


def _schedule():
    key = jax.random.key(42)
    kg, kt, kh, kw, ku = jax.random.split(key, 5)
    u = jax.random.uniform(kg, (_B, _N), minval=1e-9, maxval=1.0)
    g = -jnp.log(-jnp.log(u))
    ws = (g + _marginal_sched(kt, 't') + _marginal_sched(kh, 'h')
          + _marginal_sched(kw, 'w'))
    strat = jnp.linspace(0.0, 1.0, _B)
    rates = (jax.random.uniform(ku, (1,)) + strat) % 1.0
    ks = jnp.clip((_N * rates).astype(jnp.int32), 1, _N - 1)
    return ws, ks


def _mask_body(ws_ref, ks_ref, cb_ref, mf_ref, wf_ref, s_ref):
    x = ws_ref[...]
    i = jax.lax.bitcast_convert_type(x, jnp.int32)
    s_ref[...] = jnp.where(i < 0, i ^ jnp.int32(0x7FFFFFFF), i)
    k = ks_ref[...]
    lo0 = jnp.full((_B, 1), -2**31, jnp.int32)
    hi0 = jnp.full((_B, 1), 2**31 - 1, jnp.int32)

    def body(_, carry):
        lo, hi = carry
        mid = (lo & hi) + ((lo ^ hi) >> 1)
        cnt = jnp.sum((s_ref[...] > mid).astype(jnp.int32), axis=1,
                      keepdims=True)
        p = cnt >= k
        return jnp.where(p, mid, lo), jnp.where(p, hi, mid)

    lo, _ = jax.lax.fori_loop(0, 32, body, (lo0, hi0))
    m = (s_ref[...] > lo).astype(jnp.float32)
    mf_ref[...] = m
    wf_ref[...] = (1.0 - m) * cb_ref[...]


def _build_mask(ws, ks):
    ks2 = ks.reshape(_B, 1)
    cb = (_N / ((_N - ks2).astype(jnp.float32) * (_B * _N * _D))).astype(
        jnp.float32)
    mf, wf = pl.pallas_call(
        _mask_body,
        out_shape=[jax.ShapeDtypeStruct((_B, _N), jnp.float32),
                   jax.ShapeDtypeStruct((_B, _N), jnp.float32)],
        scratch_shapes=[pltpu.VMEM((_B, _N), jnp.int32)],
    )(ws, ks2, cb)
    return mf, wf


def _main_body(tok_ref, m_ref, w_ref, w1_ref, w1r_ref, b1_ref, w2_ref,
               b2_ref, s_ref, q_ref, ens_ref, part_ref):
    tok = tok_ref[...]
    m = m_ref[...]
    t1 = jnp.dot(tok, w1_ref[...], preferred_element_type=jnp.float32)
    h = jnp.maximum((t1 + w1r_ref[...]) * m + b1_ref[...], 0.0)
    pred = jnp.dot(h, w2_ref[...],
                   preferred_element_type=jnp.float32) + b2_ref[...]
    ens_ref[...] = pred
    w = w_ref[...]
    wpred = pred * w
    wtokrep = jnp.dot(tok * w, s_ref[...], preferred_element_type=jnp.float32)
    s1 = jnp.sum(jnp.abs(wpred - wtokrep))
    zw = jnp.dot(wpred, q_ref[...], preferred_element_type=jnp.float32)
    s2 = jnp.sum(jnp.abs(zw))
    part_ref[...] = jnp.broadcast_to(
        s1 * (1.0 / _E) - s2 * (1.0 / (_E * _E)), (1, 1, 1))


def _build_consts():
    s = np.zeros((_D, _D * _E), np.float32)
    for d in range(_D):
        s[d, d * _E:(d + 1) * _E] = 1.0
    q = np.zeros((_D * _E, 4 * _D * _E), np.float32)
    for si, sh in enumerate((1, 2, 3, 4)):
        scale = 0.5 if sh == 4 else 1.0
        for d in range(_D):
            for e in range(_E):
                col = si * 64 + d * _E + e
                q[d * _E + e, col] += scale
                q[d * _E + (e + sh) % _E, col] -= scale
    return jnp.asarray(s), jnp.asarray(q)


@functools.partial(jax.jit, static_argnames=())
def kernel(tokens, W1, b1, W2, b2):
    ws, ks = _schedule()
    mf, wf = _build_mask(ws, ks)

    tok2 = tokens.reshape(_ROWS, _D)
    mcol = mf.reshape(_ROWS, 1)
    wcol = wf.reshape(_ROWS, 1)
    w1a = W1[:_D]
    w1r = W1[_D:_D + 1]
    b1r = b1.reshape(1, _HID)
    b2r = b2.reshape(1, _D * _E)
    smat, qmat = _build_consts()

    const = lambda i: (0, 0)
    ens, parts = pl.pallas_call(
        _main_body,
        grid=(_G,),
        in_specs=[
            pl.BlockSpec((_TILE, _D), lambda i: (i, 0)),
            pl.BlockSpec((_TILE, 1), lambda i: (i, 0)),
            pl.BlockSpec((_TILE, 1), lambda i: (i, 0)),
            pl.BlockSpec((_D, _HID), const),
            pl.BlockSpec((1, _HID), const),
            pl.BlockSpec((1, _HID), const),
            pl.BlockSpec((_HID, _D * _E), const),
            pl.BlockSpec((1, _D * _E), const),
            pl.BlockSpec((_D, _D * _E), const),
            pl.BlockSpec((_D * _E, 4 * _D * _E), const),
        ],
        out_specs=[
            pl.BlockSpec((_TILE, _D * _E), lambda i: (i, 0)),
            pl.BlockSpec((1, 1, 1), lambda i: (i, 0, 0)),
        ],
        out_shape=[
            jax.ShapeDtypeStruct((_ROWS, _D * _E), jnp.float32),
            jax.ShapeDtypeStruct((_G, 1, 1), jnp.float32),
        ],
        compiler_params=pltpu.CompilerParams(
            dimension_semantics=("parallel",)),
    )(tok2, mcol, wcol, w1a, w1r, b1r, W2, b2r, smat, qmat)

    loss = jnp.sum(parts)
    ensemble = ens.reshape(_B, _N, _D, _E)
    visible = (mf > 0.5).reshape(_B, _N, 1)
    return (loss, ensemble, visible)

# --- scband reference (transcript-rebuilt; emitter-appended) ---
"""Pipeline reference for scband-discrete-diffusion-63642825392814 (READ-ONLY COPY).

The authoritative reference and input builder live on the scoring server;
editing this copy changes nothing except your own understanding.
"""

import jax, jax.numpy as jnp
import numpy as np

B = 16
T, H, W = 16, 32, 64
N = T * H * W
D = 8
E = 8
HID = 128
ALPHAS = {'t': 1.0, 'h': 1.0, 'w': 1.0}
SIZES = {'t': T, 'h': H, 'w': W}


def _marginal(key, ax):
    size = SIZES[ax]
    conc = jnp.full((B, size), ALPHAS[ax], dtype=jnp.float32)
    lp = jnp.log(jax.random.dirichlet(key, conc) + 1e-20)
    if ax == 't':
        g = lp[:, :, None, None]
    elif ax == 'h':
        g = lp[:, None, :, None]
    else:
        g = lp[:, None, None, :]
    return jnp.broadcast_to(g, (B, T, H, W)).reshape(B, N)


def setup_inputs(seed: int = 0):
    key = jax.random.key(seed)
    k1, k2, k3 = jax.random.split(key, 3)
    tokens = jax.random.normal(k1, (B, N, D), dtype=jnp.float32)
    W1 = jax.random.normal(k2, (D + 1, HID), dtype=jnp.float32) * 0.05
    b1 = jnp.zeros((HID,), dtype=jnp.float32)
    W2 = jax.random.normal(k3, (HID, D * E), dtype=jnp.float32) * 0.05
    b2 = jnp.zeros((D * E,), dtype=jnp.float32)
    return {'tokens': tokens, 'W1': W1, 'b1': b1, 'W2': W2, 'b2': b2}


def reference(tokens, W1, b1, W2, b2):
    # --- noise / masking schedule (mode='prior'), deterministic keys ---
    key = jax.random.key(42)
    kg, kt, kh, kw, ku = jax.random.split(key, 5)
    u = jax.random.uniform(kg, (B, N), minval=1e-9, maxval=1.0)
    G = -jnp.log(-jnp.log(u))  # gumbel noise
    ws = G + _marginal(kt, 't') + _marginal(kh, 'h') + _marginal(kw, 'w')
    strat = jnp.linspace(0.0, 1.0, B)
    rates = (jax.random.uniform(ku, (1,)) + strat) % 1.0
    ks = jnp.clip((N * rates).astype(jnp.int32), 1, N - 1)
    # --- binary_topk: argsort descending + scatter of (k > pos) ---
    order = jnp.argsort(-ws, axis=-1)
    pos = jnp.arange(N)
    bidx = jnp.arange(B)[:, None]
    binary = jnp.zeros((B, N), dtype=bool).at[bidx, order].set(ks[:, None] > pos[None, :])
    visible = binary[:, :, None]  # [B, N, 1]
    # --- MaskedPredictor: 2-layer MLP on masked tokens + visibility flag ---
    x = jnp.concatenate([tokens * visible, visible.astype(jnp.float32)], axis=-1)
    h = jax.nn.relu(x @ W1 + b1)
    pred = h @ W2 + b2  # [B, N, D*E]
    ensemble = pred.reshape(B, N, D, E)
    # --- kernel CRPS (fair kernel via sorted identity, exact pairwise mean) ---
    term1 = jnp.mean(jnp.abs(ensemble - tokens[..., None]), axis=-1)
    xs = jnp.sort(ensemble, axis=-1)
    coef = (2.0 * jnp.arange(E) - E + 1.0).astype(jnp.float32)
    term2 = jnp.sum(xs * coef, axis=-1) / (E * E)  # == 0.5 * mean_ij |x_i - x_j|
    score = term1 - term2
    mask = jnp.broadcast_to(~visible, tokens.shape).astype(jnp.float32)
    rate_corr = jnp.sum(mask, axis=(1, 2), keepdims=True) / (N * D)
    loss = jnp.mean(score * mask / rate_corr)
    return (loss, ensemble, visible)

if __name__ == "__main__":
    import jax
    _d = setup_inputs()
    print(jax.jit(kernel)(*tuple(_d.values())))

</pallas_src>

<mosaic_0001>
module attributes {stable_mosaic.version = 14 : i64} {
  func.func @_mask_body(%arg0: memref<16x32768xf32, #tpu.memory_space<vmem>>, %arg1: memref<16x1xi32, #tpu.memory_space<vmem>>, %arg2: memref<16x1xf32, #tpu.memory_space<vmem>>, %arg3: memref<16x32768xf32, #tpu.memory_space<vmem>>, %arg4: memref<16x32768xf32, #tpu.memory_space<vmem>>, %arg5: memref<16x32768xi32, #tpu.memory_space<vmem>>) attributes {dimension_semantics = [], scalar_prefetch = 0 : i64, scratch_operands = 1 : i64, tpu.core_type = #tpu.core_type<tc>} {
    %get3A = arith.constant 0 : index
    %get3A_0 = arith.constant 0 : index
    %get3A_1 = vector.load %arg0[%get3A, %get3A_0] : memref<16x32768xf32, #tpu.memory_space<vmem>>, vector<16x32768xf32>
    %bitcast_convert_type3A = tpu.bitcast %get3A_1 : vector<16x32768xf32> -> vector<16x32768xi32>
    %lt3A = arith.constant 0 : i32
    %lt3A_2 = vector.broadcast %lt3A : i32 to vector<16x32768xi32>
    %lt3A_3 = arith.cmpi slt, %bitcast_convert_type3A, %lt3A_2 : vector<16x32768xi32>
    %xor3A = arith.constant 2147483647 : i32
    %xor3A_4 = vector.broadcast %xor3A : i32 to vector<16x32768xi32>
    %xor3A_5 = arith.xori %bitcast_convert_type3A, %xor3A_4 : vector<16x32768xi32>
    %select_n3A = arith.select %lt3A_3, %xor3A_5, %bitcast_convert_type3A : vector<16x32768xi1>, vector<16x32768xi32>
    %swap3A = arith.constant 0 : index
    %swap3A_6 = arith.constant 0 : index
    %swap3A_7 = vector.load %arg5[%swap3A, %swap3A_6] : memref<16x32768xi32, #tpu.memory_space<vmem>>, vector<16x32768xi32>
    tpu.vector_store %arg5[%swap3A, %swap3A_6], %select_n3A {strides = array<i32>} : memref<16x32768xi32, #tpu.memory_space<vmem>>, vector<16x32768xi32>,
    %get3A_8 = arith.constant 0 : index
    %get3A_9 = arith.constant 0 : index
    %get3A_10 = vector.load %arg1[%get3A_8, %get3A_9] : memref<16x1xi32, #tpu.memory_space<vmem>>, vector<16x1xi32>
    %broadcast_in_dim3A = arith.constant -2147483648 : i32
    %broadcast_in_dim3A_11 = vector.broadcast %broadcast_in_dim3A : i32 to vector<16x1xi32>
    %broadcast_in_dim3A_12 = arith.constant 2147483647 : i32
    %broadcast_in_dim3A_13 = vector.broadcast %broadcast_in_dim3A_12 : i32 to vector<16x1xi32>
    %scan3A = arith.constant 0 : i32
    %scan3A_14 = arith.constant 32 : i32
    %scan3A_15 = arith.addi %scan3A, %scan3A_14 : i32
    %scan3A_16 = arith.constant 1 : i32
    %scan3A_17:2 = scf.for %scan3A_35 = %scan3A to %scan3A_15 step %scan3A_16 iter_args(%scan3A_36 = %broadcast_in_dim3A_11, %scan3A_37 = %broadcast_in_dim3A_13) -> (vector<16x1xi32>, vector<16x1xi32>)  : i32 {
      %and3A = arith.andi %scan3A_36, %scan3A_37 : vector<16x1xi32>
      %xor3A_38 = arith.xori %scan3A_36, %scan3A_37 : vector<16x1xi32>
      %shift_right_arithmetic3A = arith.constant 1 : i32
      %shift_right_arithmetic3A_39 = vector.broadcast %shift_right_arithmetic3A : i32 to vector<16x1xi32>
      %shift_right_arithmetic3A_40 = arith.shrsi %xor3A_38, %shift_right_arithmetic3A_39 : vector<16x1xi32>
      %add3A = arith.addi %and3A, %shift_right_arithmetic3A_40 : vector<16x1xi32>
      %get3A_41 = arith.constant 0 : index
      %get3A_42 = arith.constant 0 : index
      %get3A_43 = vector.load %arg5[%get3A_41, %get3A_42] : memref<16x32768xi32, #tpu.memory_space<vmem>>, vector<16x32768xi32>
      %gt3A_44 = vector.broadcast %add3A : vector<16x1xi32> to vector<16x32768xi32>
      %gt3A_45 = arith.cmpi sgt, %get3A_43, %gt3A_44 : vector<16x32768xi32>
      %convert_element_type3A_46 = arith.extui %gt3A_45 : vector<16x32768xi1> to vector<16x32768xi32>
      %reduce_sum3A = arith.constant dense<0> : vector<16xi32>
      %reduce_sum3A_47 = vector.multi_reduction <add>, %convert_element_type3A_46, %reduce_sum3A [1] : vector<16x32768xi32> to vector<16xi32>
      %broadcast_in_dim3A_48 = vector.shape_cast %reduce_sum3A_47 : vector<16xi32> to vector<16x1xi32>
      %ge3A = arith.cmpi sge, %broadcast_in_dim3A_48, %get3A_10 : vector<16x1xi32>
      %select_n3A_49 = arith.select %ge3A, %add3A, %scan3A_36 : vector<16x1xi1>, vector<16x1xi32>
      %select_n3A_50 = arith.select %ge3A, %scan3A_37, %add3A : vector<16x1xi1>, vector<16x1xi32>
      scf.yield %select_n3A_49, %select_n3A_50 : vector<16x1xi32>, vector<16x1xi32>
    }
    %get3A_18 = arith.constant 0 : index
    %get3A_19 = arith.constant 0 : index
    %get3A_20 = vector.load %arg5[%get3A_18, %get3A_19] : memref<16x32768xi32, #tpu.memory_space<vmem>>, vector<16x32768xi32>
    %gt3A = vector.broadcast %scan3A_17#0 : vector<16x1xi32> to vector<16x32768xi32>
    %gt3A_21 = arith.cmpi sgt, %get3A_20, %gt3A : vector<16x32768xi32>
    %convert_element_type3A = arith.extui %gt3A_21 : vector<16x32768xi1> to vector<16x32768xi32>
    %convert_element_type3A_22 = arith.sitofp %convert_element_type3A : vector<16x32768xi32> to vector<16x32768xf32>
    %swap3A_23 = arith.constant 0 : index
    %swap3A_24 = arith.constant 0 : index
    %swap3A_25 = vector.load %arg3[%swap3A_23, %swap3A_24] : memref<16x32768xf32, #tpu.memory_space<vmem>>, vector<16x32768xf32>
    tpu.vector_store %arg3[%swap3A_23, %swap3A_24], %convert_element_type3A_22 {strides = array<i32>} : memref<16x32768xf32, #tpu.memory_space<vmem>>, vector<16x32768xf32>,
    %sub3A = arith.constant 1.000000e+00 : f32
    %sub3A_26 = vector.broadcast %sub3A : f32 to vector<16x32768xf32>
    %sub3A_27 = arith.subf %sub3A_26, %convert_element_type3A_22 : vector<16x32768xf32>
    %get3A_28 = arith.constant 0 : index
    %get3A_29 = arith.constant 0 : index
    %get3A_30 = vector.load %arg2[%get3A_28, %get3A_29] : memref<16x1xf32, #tpu.memory_space<vmem>>, vector<16x1xf32>
    %mul3A = vector.broadcast %get3A_30 : vector<16x1xf32> to vector<16x32768xf32>
    %mul3A_31 = arith.mulf %sub3A_27, %mul3A : vector<16x32768xf32>
    %swap3A_32 = arith.constant 0 : index
    %swap3A_33 = arith.constant 0 : index
    %swap3A_34 = vector.load %arg4[%swap3A_32, %swap3A_33] : memref<16x32768xf32, #tpu.memory_space<vmem>>, vector<16x32768xf32>
    tpu.vector_store %arg4[%swap3A_32, %swap3A_33], %mul3A_31 {strides = array<i32>} : memref<16x32768xf32, #tpu.memory_space<vmem>>, vector<16x32768xf32>,
    return
  }
}

module attributes {stable_mosaic.version = 14 : i64} {
  func.func @_main_body(%arg0: i32, %arg1: memref<2048x8xf32, #tpu.memory_space<vmem>>, %arg2: memref<2048x1xf32, #tpu.memory_space<vmem>>, %arg3: memref<2048x1xf32, #tpu.memory_space<vmem>>, %arg4: memref<8x128xf32, #tpu.memory_space<vmem>>, %arg5: memref<1x128xf32, #tpu.memory_space<vmem>>, %arg6: memref<1x128xf32, #tpu.memory_space<vmem>>, %arg7: memref<128x64xf32, #tpu.memory_space<vmem>>, %arg8: memref<1x64xf32, #tpu.memory_space<vmem>>, %arg9: memref<8x64xf32, #tpu.memory_space<vmem>>, %arg10: memref<64x256xf32, #tpu.memory_space<vmem>>, %arg11: memref<2048x64xf32, #tpu.memory_space<vmem>>, %arg12: memref<1x1x1xf32, #tpu.memory_space<vmem>>) attributes {dimension_semantics = [#tpu.dimension_semantics<parallel>], iteration_bounds = array<i64: 256>, scalar_prefetch = 0 : i64, scratch_operands = 0 : i64, tpu.core_type = #tpu.core_type<tc>, window_params = [{transform_indices = @transform_0, window_bounds = array<i64: 2048, 8>}, {transform_indices = @transform_1, window_bounds = array<i64: 2048, 1>}, {transform_indices = @transform_2, window_bounds = array<i64: 2048, 1>}, {pipeline_mode = #tpu.pipeline_mode<synchronous>, transform_indices = @transform_3, window_bounds = array<i64: 8, 128>}, {pipeline_mode = #tpu.pipeline_mode<synchronous>, transform_indices = @transform_4, window_bounds = array<i64: 1, 128>}, {pipeline_mode = #tpu.pipeline_mode<synchronous>, transform_indices = @transform_5, window_bounds = array<i64: 1, 128>}, {pipeline_mode = #tpu.pipeline_mode<synchronous>, transform_indices = @transform_6, window_bounds = array<i64: 128, 64>}, {pipeline_mode = #tpu.pipeline_mode<synchronous>, transform_indices = @transform_7, window_bounds = array<i64: 1, 64>}, {pipeline_mode = #tpu.pipeline_mode<synchronous>, transform_indices = @transform_8, window_bounds = array<i64: 8, 64>}, {pipeline_mode = #tpu.pipeline_mode<synchronous>, transform_indices = @transform_9, window_bounds = array<i64: 64, 256>}, {transform_indices = @transform_10, window_bounds = array<i64: 2048, 64>}, {transform_indices = @transform_11, window_bounds = array<i64: 1, 1, 1>}]} {
    %get3A = arith.constant 0 : index
    %get3A_0 = arith.constant 0 : index
    %get3A_1 = vector.load %arg1[%get3A, %get3A_0] : memref<2048x8xf32, #tpu.memory_space<vmem>>, vector<2048x8xf32>
    %get3A_2 = arith.constant 0 : index
    %get3A_3 = arith.constant 0 : index
    %get3A_4 = vector.load %arg2[%get3A_2, %get3A_3] : memref<2048x1xf32, #tpu.memory_space<vmem>>, vector<2048x1xf32>
    %get3A_5 = arith.constant 0 : index
    %get3A_6 = arith.constant 0 : index
    %get3A_7 = vector.load %arg4[%get3A_5, %get3A_6] : memref<8x128xf32, #tpu.memory_space<vmem>>, vector<8x128xf32>
    %dot_general3A = arith.constant dense<0.000000e+00> : vector<2048x128xf32>
    %dot_general3A_8 = tpu.matmul %get3A_1, %get3A_7, %dot_general3A {dimension_numbers = #tpu.dot_dimension_numbers<[1], [0], [0], [1], [0, 0, 1, 1], [], []>, transpose_lhs_hint = false} : vector<2048x8xf32>, vector<8x128xf32>, vector<2048x128xf32> -> vector<2048x128xf32>
    %get3A_9 = arith.constant 0 : index
    %get3A_10 = arith.constant 0 : index
    %get3A_11 = vector.load %arg5[%get3A_9, %get3A_10] : memref<1x128xf32, #tpu.memory_space<vmem>>, vector<1x128xf32>
    %add3A = vector.broadcast %get3A_11 : vector<1x128xf32> to vector<2048x128xf32>
    %add3A_12 = arith.addf %dot_general3A_8, %add3A : vector<2048x128xf32>
    %mul3A = vector.broadcast %get3A_4 : vector<2048x1xf32> to vector<2048x128xf32>
    %mul3A_13 = arith.mulf %add3A_12, %mul3A : vector<2048x128xf32>
    %get3A_14 = arith.constant 0 : index
    %get3A_15 = arith.constant 0 : index
    %get3A_16 = vector.load %arg6[%get3A_14, %get3A_15] : memref<1x128xf32, #tpu.memory_space<vmem>>, vector<1x128xf32>
    %add3A_17 = vector.broadcast %get3A_16 : vector<1x128xf32> to vector<2048x128xf32>
    %add3A_18 = arith.addf %mul3A_13, %add3A_17 : vector<2048x128xf32>
    %max3A = arith.constant 0.000000e+00 : f32
    %max3A_19 = vector.broadcast %max3A : f32 to vector<2048x128xf32>
    %max3A_20 = arith.maximumf %add3A_18, %max3A_19 : vector<2048x128xf32>
    %get3A_21 = arith.constant 0 : index
    %get3A_22 = arith.constant 0 : index
    %get3A_23 = vector.load %arg7[%get3A_21, %get3A_22] : memref<128x64xf32, #tpu.memory_space<vmem>>, vector<128x64xf32>
    %dot_general3A_24 = arith.constant dense<0.000000e+00> : vector<2048x64xf32>
    %dot_general3A_25 = tpu.matmul %max3A_20, %get3A_23, %dot_general3A_24 {dimension_numbers = #tpu.dot_dimension_numbers<[1], [0], [0], [1], [0, 0, 1, 1], [], []>, transpose_lhs_hint = false} : vector<2048x128xf32>, vector<128x64xf32>, vector<2048x64xf32> -> vector<2048x64xf32>
    %get3A_26 = arith.constant 0 : index
    %get3A_27 = arith.constant 0 : index
    %get3A_28 = vector.load %arg8[%get3A_26, %get3A_27] : memref<1x64xf32, #tpu.memory_space<vmem>>, vector<1x64xf32>
    %add3A_29 = vector.broadcast %get3A_28 : vector<1x64xf32> to vector<2048x64xf32>
    %add3A_30 = arith.addf %dot_general3A_25, %add3A_29 : vector<2048x64xf32>
    %swap3A = arith.constant 0 : index
    %swap3A_31 = arith.constant 0 : index
    %swap3A_32 = vector.load %arg11[%swap3A, %swap3A_31] : memref<2048x64xf32, #tpu.memory_space<vmem>>, vector<2048x64xf32>
    tpu.vector_store %arg11[%swap3A, %swap3A_31], %add3A_30 {strides = array<i32>} : memref<2048x64xf32, #tpu.memory_space<vmem>>, vector<2048x64xf32>,
    %get3A_33 = arith.constant 0 : index
    %get3A_34 = arith.constant 0 : index
    %get3A_35 = vector.load %arg3[%get3A_33, %get3A_34] : memref<2048x1xf32, #tpu.memory_space<vmem>>, vector<2048x1xf32>
    %mul3A_36 = vector.broadcast %get3A_35 : vector<2048x1xf32> to vector<2048x64xf32>
    %mul3A_37 = arith.mulf %add3A_30, %mul3A_36 : vector<2048x64xf32>
    %mul3A_38 = vector.broadcast %get3A_35 : vector<2048x1xf32> to vector<2048x8xf32>
    %mul3A_39 = arith.mulf %get3A_1, %mul3A_38 : vector<2048x8xf32>
    %get3A_40 = arith.constant 0 : index
    %get3A_41 = arith.constant 0 : index
    %get3A_42 = vector.load %arg9[%get3A_40, %get3A_41] : memref<8x64xf32, #tpu.memory_space<vmem>>, vector<8x64xf32>
    %dot_general3A_43 = arith.constant dense<0.000000e+00> : vector<2048x64xf32>
    %dot_general3A_44 = tpu.matmul %mul3A_39, %get3A_42, %dot_general3A_43 {dimension_numbers = #tpu.dot_dimension_numbers<[1], [0], [0], [1], [0, 0, 1, 1], [], []>, transpose_lhs_hint = false} : vector<2048x8xf32>, vector<8x64xf32>, vector<2048x64xf32> -> vector<2048x64xf32>
    %sub3A = arith.subf %mul3A_37, %dot_general3A_44 : vector<2048x64xf32>
    %abs3A = math.absf %sub3A : vector<2048x64xf32>
    %reduce_sum3A = vector.shape_cast %abs3A : vector<2048x64xf32> to vector<1x2048x64xf32>
    %reduce_sum3A_45 = arith.constant dense<0.000000e+00> : vector<1xf32>
    %reduce_sum3A_46 = vector.multi_reduction <add>, %reduce_sum3A, %reduce_sum3A_45 [1, 2] : vector<1x2048x64xf32> to vector<1xf32>
    %reduce_sum3A_47 = vector.shape_cast %reduce_sum3A_46 : vector<1xf32> to vector<1x1x1xf32>
    %reduce_sum3A_48 = vector.extract %reduce_sum3A_47[0, 0, 0] : f32 from vector<1x1x1xf32>
    %get3A_49 = arith.constant 0 : index
    %get3A_50 = arith.constant 0 : index
    %get3A_51 = vector.load %arg10[%get3A_49, %get3A_50] : memref<64x256xf32, #tpu.memory_space<vmem>>, vector<64x256xf32>
    %dot_general3A_52 = arith.constant dense<0.000000e+00> : vector<2048x256xf32>
    %dot_general3A_53 = tpu.matmul %mul3A_37, %get3A_51, %dot_general3A_52 {dimension_numbers = #tpu.dot_dimension_numbers<[1], [0], [0], [1], [0, 0, 1, 1], [], []>, transpose_lhs_hint = false} : vector<2048x64xf32>, vector<64x256xf32>, vector<2048x256xf32> -> vector<2048x256xf32>
    %abs3A_54 = math.absf %dot_general3A_53 : vector<2048x256xf32>
    %reduce_sum3A_55 = vector.shape_cast %abs3A_54 : vector<2048x256xf32> to vector<1x2048x256xf32>
    %reduce_sum3A_56 = arith.constant dense<0.000000e+00> : vector<1xf32>
    %reduce_sum3A_57 = vector.multi_reduction <add>, %reduce_sum3A_55, %reduce_sum3A_56 [1, 2] : vector<1x2048x256xf32> to vector<1xf32>
    %reduce_sum3A_58 = vector.shape_cast %reduce_sum3A_57 : vector<1xf32> to vector<1x1x1xf32>
    %reduce_sum3A_59 = vector.extract %reduce_sum3A_58[0, 0, 0] : f32 from vector<1x1x1xf32>
    %mul3A_60 = arith.constant 1.250000e-01 : f32
    %mul3A_61 = arith.mulf %reduce_sum3A_48, %mul3A_60 : f32
    %mul3A_62 = arith.constant 1.562500e-02 : f32
    %mul3A_63 = arith.mulf %reduce_sum3A_59, %mul3A_62 : f32
    %sub3A_64 = arith.subf %mul3A_61, %mul3A_63 : f32
    %broadcast_in_dim3A = vector.broadcast %sub3A_64 : f32 to vector<1x1x1xf32>
    %swap3A_65 = arith.constant 0 : index
    %swap3A_66 = arith.constant 0 : index
    %swap3A_67 = arith.constant 0 : index
    %swap3A_68 = vector.load %arg12[%swap3A_65, %swap3A_66, %swap3A_67] : memref<1x1x1xf32, #tpu.memory_space<vmem>>, vector<1x1x1xf32>
    tpu.vector_store %arg12[%swap3A_65, %swap3A_66, %swap3A_67], %broadcast_in_dim3A {strides = array<i32>} : memref<1x1x1xf32, #tpu.memory_space<vmem>>, vector<1x1x1xf32>,
    return
  }
  func.func @transform_0(%arg0: i32) -> (i32, i32) {
    %c0_i32 = arith.constant 0 : i32
    %c0_i32_0 = arith.constant 0 : i32
    return %arg0, %c0_i32 : i32, i32
  }
  func.func @transform_1(%arg0: i32) -> (i32, i32) {
    %c0_i32 = arith.constant 0 : i32
    %c0_i32_0 = arith.constant 0 : i32
    return %arg0, %c0_i32 : i32, i32
  }
  func.func @transform_2(%arg0: i32) -> (i32, i32) {
    %c0_i32 = arith.constant 0 : i32
    %c0_i32_0 = arith.constant 0 : i32
    return %arg0, %c0_i32 : i32, i32
  }
  func.func @transform_3(%arg0: i32) -> (i32, i32) {
    %c0_i32 = arith.constant 0 : i32
    %c0_i32_0 = arith.constant 0 : i32
    %c0_i32_1 = arith.constant 0 : i32
    return %c0_i32, %c0_i32_0 : i32, i32
  }
  func.func @transform_4(%arg0: i32) -> (i32, i32) {
    %c0_i32 = arith.constant 0 : i32
    %c0_i32_0 = arith.constant 0 : i32
    %c0_i32_1 = arith.constant 0 : i32
    return %c0_i32, %c0_i32_0 : i32, i32
  }
  func.func @transform_5(%arg0: i32) -> (i32, i32) {
    %c0_i32 = arith.constant 0 : i32
    %c0_i32_0 = arith.constant 0 : i32
    %c0_i32_1 = arith.constant 0 : i32
    return %c0_i32, %c0_i32_0 : i32, i32
  }
  func.func @transform_6(%arg0: i32) -> (i32, i32) {
    %c0_i32 = arith.constant 0 : i32
    %c0_i32_0 = arith.constant 0 : i32
    %c0_i32_1 = arith.constant 0 : i32
    return %c0_i32, %c0_i32_0 : i32, i32
  }
  func.func @transform_7(%arg0: i32) -> (i32, i32) {
    %c0_i32 = arith.constant 0 : i32
    %c0_i32_0 = arith.constant 0 : i32
    %c0_i32_1 = arith.constant 0 : i32
    return %c0_i32, %c0_i32_0 : i32, i32
  }
  func.func @transform_8(%arg0: i32) -> (i32, i32) {
    %c0_i32 = arith.constant 0 : i32
    %c0_i32_0 = arith.constant 0 : i32
    %c0_i32_1 = arith.constant 0 : i32
    return %c0_i32, %c0_i32_0 : i32, i32
  }
  func.func @transform_9(%arg0: i32) -> (i32, i32) {
    %c0_i32 = arith.constant 0 : i32
    %c0_i32_0 = arith.constant 0 : i32
    %c0_i32_1 = arith.constant 0 : i32
    return %c0_i32, %c0_i32_0 : i32, i32
  }
  func.func @transform_10(%arg0: i32) -> (i32, i32) {
    %c0_i32 = arith.constant 0 : i32
    %c0_i32_0 = arith.constant 0 : i32
    return %arg0, %c0_i32 : i32, i32
  }
  func.func @transform_11(%arg0: i32) -> (i32, i32, i32) {
    %c0_i32 = arith.constant 0 : i32
    %c0_i32_0 = arith.constant 0 : i32
    %c0_i32_1 = arith.constant 0 : i32
    return %arg0, %c0_i32, %c0_i32_0 : i32, i32, i32
  }
}

</mosaic_0001>

<sc_bundles>
// kernel: sparse-core-data-format-call.1.cloned.1.call-start
scs
called_computation.1_lowered:
.L_overlay_start_0:
0x0: {  	s2 =	sld [smem:$0x3FD9]  }
0x1: {  	s3 =	sld [smem:$0x3FFE];
	_ =	sdelay $0x1  }
0x2: {  	s1 =	srdreg.scid  }
0x3: {  	s0 =	sand.u32 $0x1, s1  }
0x4: {  	s15 =	sshll.u32 s0, $0xA;
	s2 =	sadd.s32 s3, s2  }
0x5: {  	s2 =	sadd.s32 s2, s15  }
0x6: {  	[smem:$0x3FC3] =	sst s2  }
0x7: {  	_ = 	snop  }
0x8: {  	s2 =	sld [smem:$0x3FD0];
	_ =	sdelay $0x2  }
0x9: {  	s16 =	simm.s32 $0xA;
	s4 =	simm.s32 $0x10  }
0xa: {  	[smem:s4], [sflag:s16] =	dma.local [hbm:s2], $0x1  }
0xb: {  	_ =	swait.eq [sflag:s16], $0x1  }
0xc: {  	[sflag:s16] =	ssyncset.done $0x0  }
0xd: {  	[sflag:s16] =	ssyncadd.s32 $0xFFFFFFFF  }
0xe: {  	s17 =	sld [smem:$0x11];
	(tm) =	ssettm $0x1  }
0xf: {  	s18 =	sld [smem:$0x3FFB];
	_ =	sdelay $0x3  }
0x10: {  	_ =	strace s18  }
0x11: {  	s3 =	sld [smem:$0x3FFC];
	_ =	sdelay $0x3  }
0x12: {  	_ =	strace s3  }
0x13: {  	s3 =	sld [smem:$0x3FFD];
	_ =	sdelay $0x3  }
0x14: {  	_ =	strace s3  }
0x15: {  	_ =	strace $0x8FFFFFFF  }
0x16: {  	s19 =	sld [smem:$0x3FDB];
	_ =	sdelay $0x1  }
0x17: {  	s20 =	simm.s32 $_scs_section_size  }
0x18: {  	s5 =	simm.s32 $_size__tile_overlayer_lowered;
	s6 =	simm.s32 $_tile_overlayer_lowered  }
0x19: {  	s23 =	simm.s32 $0x1BFF;
	s22 =	sshll.u32 s6, $0x1;
	s3 =	sadd.s32 s20, s19  }
0x1a: {  	s7 =	simm.s32 $0x0;
	s21 =	sshll.u32 s5, $0x1;
	s5 =	sadd.s32 s22, s3  }
0x1b: {  	[timem:s7], [sflag:s23] =	dma.local [hbm:s5], s21  }
0x1c: {  	_ =	swait.ge [sflag:s23], s21  }
0x1d: {  	s4 =	ssub.s32 $0x0, s21;
	[sflag:s23] =	ssyncset.done $0x0  }
0x1e: {  	[sflag:s23] =	ssyncadd.s32 s4;
	_ =	sdelay $0x1  }
0x1f: {  	s24 =	simm.s32 $0x1B8B  }
0x20: {  	_ =	swait.ge [sflag:s24], $0x1  }
0x21: {  	[sflag:s24] =	ssyncset.done $0x0  }
0x22: {  	s26 =	simm.s32 $0x1B8E;
	s25 =	sld [smem:$0x3FFE];
	[sflag:s24] =	ssyncadd.s32 $0xFFFFFFFF  }
0x23: {  	s27 =	simm.s32 $execute0_lowered;
	[smem:$0x3FD2] =	sst s26  }
0x24: {  	s5 =	sshll.u32 s27, $0x1;
	_ =	strace $0x80000046;
	[dreg:$0x1] =	wrdreg $0xFFFFFFFF  }
0x25: {  	s28 =	simm.s32 $_size_execute0_lowered;
	s3 =	sadd.s32 s3, s5;
	[dreg:$0x0] =	wrdreg $0x0  }
0x26: {  	s5 =	sshll.u32 s28, $0x1;
	[dreg:$0x2] =	wrdreg s3  }
0x27: {  	[dreg:$0x3] =	wrdreg s5  }
0x28: {  	[dreg:$0x4] =	wrdreg $0xC0  }
0x29: {  	_ =	task [dreg:s7], $0x5FFFF  }
0x2a: {  	[dreg:$0x1] =	wrdreg $0xFFFFFFFF  }
0x2b: {  	[dreg:$0x0] =	wrdreg $0x60  }
0x2c: {  	[dreg:$0x2] =	wrdreg s17  }
0x2d: {  	[dreg:$0x3] =	wrdreg s25  }
0x2e: {  	[dreg:$0x4] =	wrdreg $0x9  }
0x2f: {  	_ =	task.clear_ibuf [dreg:s7], $0x5FFFF;
	_ =	strace $0x90000046  }
0x30: {  	s29 =	simm.s32 $0x9;
	_ =	strace $0x80000048  }
0x31: {  	_ =	swait.ge [sflag:s29], $0x1  }
0x32: {  	[sflag:s29] =	ssyncadd.s32 $0xFFFFFFFF  }
0x33: {  	_ =	strace $0x90000048  }
0x34: {  	_ =	sfence  }
0x35: {  	s30 =	sld [smem:$0x0];
	_ =	sdelay $0x2  }
0x36: {  	s31 =	sshll.u32 s1, $0xD;
	s1 =	sshrl.u32 s1, $0x2  }
0x37: {  	s3 =	sand.u32 $0x4000, s31;
	s1 =	sadd.s32 s1, s30  }
0x38: {  	s0 =	sor.u32 s3, s0;
	s1 =	sshll.u32 s1, $0x11  }
0x39: {  	s0 =	sor.u32 s1, s0  }
0x3a: {  	s0 =	sadd.s32 $0x8F2B, s0  }
0x3b: {  	[sflag:s0] =	ssyncadd.remote.s32 $0x1  }
0x3c: {  	_ =	sfence.sel $0xFFFF  }
0x3d: {  	[dreg:$0x0] =	wrdreg $0xFFFFFFFF;
	(pc) =	sbr.abs _section_cstart, $3  }
0x3e: {  	[dreg:$0x1] =	wrdreg $0xFFFFFFFF  }
0x3f: {  	_ =	task.clear_ibuf [dreg:s7], $0x2FFFF;
	_ =	strace $0x9FFFFFFF  }
0x40: {  	(tm) =	ssettm $0x7FFFFFFF  }
0x41: {  	_ =	shalt  }
tec
execute0_lowered:
.L_overlay_start_1:
0x0: {  	(tag) =	ssettag $0x1  }
0x1: {  	s2 =	rddreg [dreg:$0x0];
	s0 =	srdreg.scid  }
0x2: {  	s1 =	rddreg [dreg:$0x1];
	s10 =	stileid.u32;
	_ =	strace $0x80000047  }
0x3: {  	s9 =	simm.s32 $0x2;
	s17 =	simm.s32 $0x0;
	s11 =	simm.s32 $0x0  }
0x4: {  	s18 =	simm.s32 $0x0;
	s20 =	simm.s32 $0x0;
	s19 =	simm.s32 $0x0  }
0x5: {  	s13 =	simm.s32 $0x0;
	s0 =	sshll.u32 s0, $0x8;
	s3 =	sand.u32 $0x8, s10  }
0x6: {  	s16 =	simm.s32 $0x0;
	s4 =	sand.u32 $0x100, s0;
	s30 =	ssub.s32 $0x10, s3  }
0x7: {  	s26 =	simm.s32 $0x0;
	s5 =	ssub.s32 $0x8000, s4;
	s0 =	sshrl.u32 s30, $0x3  }
0x8: {  	s6 =	sshrl.u32 s30, $0x4;
	s7 =	sshrl.u32 s5, $0x8;
	s0 =	sand.u32 $0x1, s0  }
.Ltmp0:
0x9: {  	s8 =	sshrl.u32 s5, $0x9;
	s7 =	sand.u32 $0x1, s7;
	(pc) =	sbr.rel .LBB1_1-.Ltmp0, $4  }
0xa: {  	s14 =	smov.u32 s3;
	s0 =	sadd.s32 s6, s0;
	s31 =	sadd.s32 s8, s7  }
0xb: {  	s12 =	smov.u32 s4;
	s5 =	simm.s32 $0x1;
	s6 =	smul.u32 s0, s31  }
0xc: {  	[sflag:s5] =	ssyncpa.u1 $0x0;
	s7 =	sadd.s32 $0x14800, s1;
	s8 =	sand.u32 $0x7, s10  }
0xd: {  	[sflag:s9] =	ssyncpa.u1 $0x0;
	s15 =	smov.u32 s8;
	s9 =	sadd.s32 $0x1, s6  }
.LBB1_7:
0xe: {  	s0 =	sadd.s32 $0x200, s12  }
0xf: {  	s1 =	sadd.s32 $0x8, s13;
	s10 =	smov.u32 s13;
	p1 =	sgt.s32 s0, $0x7FFF  }
0x10: {  	s10 =	smov.u32 @p1 s1  }
0x11: {  	s21 =	smov.u32 s14;
	s1 =	sadd.s32 $0x10, s14;
	p2 =	sgt.s32 s10, $0x7  }
0x12: {  	s21 =	smov.u32 @p2 s1  }
0x13: {  	s22 =	smov.u32 s15;
	s1 =	sadd.s32 $0x8, s15;
	p3 =	sgt.s32 s21, $0xF  }
0x14: {  	p0 =	slt.u32 s16, $0x2;
	s22 =	smov.u32 @p3 s1  }
0x15: {  	s17 =	smov.u32 s12;
	s0 =	smov.u32 @p1 s4;
	p1 =	sgt.s32 s22, $0x7  }
0x16: {  	s18 =	smov.u32 s13;
	s22 =	smov.u32 @p1 s8;
	p1 =	sne.s32 s16, s9  }
.Ltmp1:
0x17: {  	s20 =	smov.u32 s14;
	s19 =	smov.u32 s15;
	(pc) =	sbr.rel @!p1 .LBB1_8-.Ltmp1, $4  }
0x18: {  	s11 =	sadd.s32 $0x4000, s11;
	s12 =	smov.u32 s0;
	s1 =	simm.s32 @!p0 $0x2  }
0x19: {  	s10 =	simm.s32 @p2 $0x0;
	s21 =	smov.u32 @p3 s3;
	_ =	swait.ge @!p0 [sflag:s1], $0x4000  }
0x1a: {  	s13 =	smov.u32 s10;
	s14 =	smov.u32 s21;
	[sflag:s1] =	ssyncset.done @!p0 $0x0  }
0x1b: {  	s16 =	sadd.s32 $0x1, s16;
	[sflag:s1] =	ssyncadd.s32 @!p0 $0xFFFFC000;
	s15 =	smov.u32 s22  }
.LBB1_1:
0x1c: {  	p0 =	sge.u32 s16, s6  }
0x1d: {  	s31 =	sadd.s32 $0xFFFFFFFF, s16;
	s0 =	sxor.u32 @!p0 $0xFFFFFFFF, s16  }
0x1e: {  	s1 =	sshll.u32 @!p0 s13, $0x7;
	s10 =	sand.u32 @!p0 $0x78, s12;
	s21 =	sshll.u32 @!p0 s12, $0x3  }
0x1f: {  	s22 =	sand.u32 @!p0 $0x7000, s12;
	s0 =	sshll.u32 @!p0 s0, $0xE;
	s1 =	sand.u32 @!p0 $0x380, s1  }
0x20: {  	s21 =	sand.u32 @!p0 $0x7C00, s21;
	s1 =	sor.u32 @!p0 s1, s10;
	s10 =	sshll.u32 @!p0 s15, $0x13  }
0x21: {  	s1 =	sor.u32 @!p0 s21, s1;
	s21 =	sshll.u32 @!p0 s14, $0xF;
	s10 =	sadd.s32 @!p0 s2, s10  }
0x22: {  	s0 =	sand.u32 @!p0 $0x4000, s0;
	s10 =	sadd.s32 @!p0 s21, s10;
	s21 =	sand.u32 @!p0 $0x7, s12  }
0x23: {  	s1 =	sshrl.u32 @!p0 s1, $0x3;
	s10 =	sadd.s32 @!p0 s22, s10;
	s21 =	sshll.u32 @!p0 s21, $0x12  }
0x24: {  	s1 =	sadd.s32 @!p0 s1, s10;
	s10 =	sor.u32 @!p0 $0x800, s21;
	s21 =	simm.s32 @!p0 $0x40000  }
0x25: {  	[tilespmem:s0], [sflag:$0x1] =	stream.strided.gather @!p0 [hbm4b:s1+s10], $0x4000, s21, s10, $0x38;
	[tilespmem:$0x10000] =	vst v63  }
0x26: {  	p0 =	sge.u32 s31, s6  }
.Ltmp2:
0x27: {  	_ = 	snop;
	(pc) =	sbr.rel @p0 .LBB1_7-.Ltmp2, $1  }
0x28: {  	_ =	sdelay $0x3  }
0x29: {  	s0 =	sshll.u32 s11, $0x2;
	_ =	swait.ge [sflag:s5], $0x4000;
	s1 =	sshll.u32 s16, $0xE  }
0x2a: {  	p0 =	por $0x0, $0x0;
	s27 =	simm.s32 $0x0;
	s28 =	simm.s32 $0x0  }
0x2b: {  	s0 =	sand.u32 $0x10000, s0;
	[sflag:s5] =	ssyncset.done $0x0;
	s24 =	sand.u32 $0x4000, s1  }
0x2c: {  	s0 =	sshrl.u32 s0, $0x2;
	[sflag:s5] =	ssyncadd.s32 $0xFFFFC000;
	s21 =	sor.u32 $0x8000, s24  }
0x2d: {  	s22 =	sor.u32 $0x40, s0;
	s23 =	sor.u32 $0x8410, s0;
	s25 =	sadd.s32 $0x8400, s0  }
.LBB1_3:
0x2e: {  	v1 =	vld [tilespmem:s22+$0xFFFFFFD0]  }
0x2f: {  	v2 =	vld [tilespmem:s22+$0x430]  }
0x30: {  	s0 =	sshll.u32 s28, $0xB;
	v4 =	vld [tilespmem:s22+$0xFFFFFFE0]  }
0x31: {  	v7 =	vld [tilespmem:s22+$0xFFFFFFF0];
	v0 =	vmov s0  }
0x32: {  	v8 =	vld [tilespmem:s22+$0x0]  }
0x33: {  	s10 =	sand.u32 $0x300, s26;
	v9 =	vld [tilespmem:s22+$0x10]  }
0x34: {  	s1 =	sand.u32 $0x80, s26;
	v10 =	vld [tilespmem:s22+$0x20];
	s0 =	sadd.s32 s10, s24  }
0x35: {  	v11 =	vld [tilespmem:s22+$0x30];
	s0 =	sadd.s32 s1, s0;
	s1 =	simm.s32 $0x1;
	[tilespmem:s23+$0x60] =	vst v2  }
0x36: {  	s10 =	sshll.u32 s27, $0x2;
	s1 =	simm.s32 @!p0 $0x0;
	[tilespmem:s23+$0xFFFFFC00] =	vst v1;
	v3 =	vld.idx.msk [tilespmem:v0+s0+$0x400 ss:$0x1], $0xffff  }
0x37: {  	v6 =	vld [tilespmem:s22+$0x3D0];
	s1 =	sshll.u32 s1, $0x9;
	[tilespmem:s23+$0xFFFFFC10] =	vst v4;
	s0 =	sand.u32 $0xFFFFFC00, s10  }
0x38: {  	v5 =	vld [tilespmem:s22+$0x3E0];
	[tilespmem:s23+$0xFFFFFC20] =	vst v7;
	s0 =	sor.u32 s1, s0  }
0x39: {  	[tilespmem:s23+$0xFFFFFC30] =	vst v8;
	v4 =	vld [tilespmem:s22+$0x400];
	s0 =	sshrl.u32 s0, $0x2  }
0x3a: {  	[tilespmem:s23+$0xFFFFFC40] =	vst v9;
	v1 =	vld [tilespmem:s22+$0x410];
	s29 =	sadd.s32 s0, s25  }
0x3b: {  	[tilespmem:s29+$0x0] =	vst v3;
	v3 =	vld [tilespmem:s22+$0x3F0]  }
0x3c: {  	s30 =	sadd.s32 $0x80, s22;
	[tilespmem:s23+$0xFFFFFC50] =	vst v10;
	v2 =	vld [tilespmem:s22+$0x420];
	s1 =	simm.s32 $0x80  }
0x3d: {  	s31 =	smov.u32 s23;
	v7 =	vld [tilespmem:s22+$0xFFFFFFC0];
	[tilespmem:s23+$0xFFFFFC60] =	vst v11;
	s10 =	sand.u32 $0x300, s1;
	s0 =	simm.s32 $0x100  }
.LBB1_4:
0x3e: {  	p1 =	sne.s32 s0, $0x380;
	v8 =	vld [tilespmem:s30+$0xFFFFFFD0];
	s1 =	sand.u32 $0x80, s1;
	s10 =	sadd.s32 s10, s24;
	[tilespmem:s31+$0x0] =	vst v6  }
0x3f: {  	s10 =	sadd.s32 s1, s10;
	v6 =	vld [tilespmem:s30+$0x430];
	[tilespmem:s31+$0x10] =	vst v5;
	s1 =	smov.u32 s0  }
0x40: {  	v5 =	vld.idx.msk [tilespmem:v0+s10+$0x400 ss:$0x1], $0xffff;
	[tilespmem:s31+$0x20] =	vst v3  }
0x41: {  	v3 =	vld [tilespmem:s30+$0xFFFFFFE0];
	[tilespmem:s31+$0x30] =	vst v4  }
0x42: {  	v4 =	vld [tilespmem:s30+$0xFFFFFFF0];
	[tilespmem:s31+$0xFFFFFBF0] =	vst v7  }
0x43: {  	v7 =	vld [tilespmem:s30+$0x0];
	[tilespmem:s31+$0x40] =	vst v1  }
0x44: {  	v1 =	vld [tilespmem:s30+$0x10];
	[tilespmem:s31+$0x50] =	vst v2;
	s31 =	sadd.s32 $0x800, s31  }
0x45: {  	s29 =	sadd.s32 $0x800, s29;
	v2 =	vld [tilespmem:s30+$0x20];
	[tilespmem:s31+$0x60] =	vst v6  }
0x46: {  	v9 =	vld [tilespmem:s30+$0x30];
	[tilespmem:s29+$0x0] =	vst v5  }
0x47: {  	[tilespmem:s31+$0xFFFFFC00] =	vst v8;
	v6 =	vld [tilespmem:s30+$0x3D0]  }
0x48: {  	[tilespmem:s31+$0xFFFFFC10] =	vst v3;
	v5 =	vld [tilespmem:s30+$0x3E0]  }
.Ltmp3:
0x49: {  	[tilespmem:s31+$0xFFFFFC20] =	vst v4;
	v3 =	vld [tilespmem:s30+$0x3F0];
	(pc) =	sbr.rel @p1 .LBB1_4-.Ltmp3, $4  }
0x4a: {  	[tilespmem:s31+$0xFFFFFC30] =	vst v7;
	v4 =	vld [tilespmem:s30+$0x400]  }
0x4b: {  	[tilespmem:s31+$0xFFFFFC40] =	vst v1;
	v1 =	vld [tilespmem:s30+$0x410]  }
0x4c: {  	[tilespmem:s31+$0xFFFFFC50] =	vst v2;
	v2 =	vld [tilespmem:s30+$0x420]  }
0x4d: {  	s0 =	sadd.s32 $0x80, s0;
	s10 =	sand.u32 $0x300, s1;
	v7 =	vld [tilespmem:s30+$0xFFFFFFC0];
	[tilespmem:s31+$0xFFFFFC60] =	vst v9;
	s30 =	sadd.s32 $0x80, s30  }
0x4e: {  	[tilespmem:s31+$0x0] =	vst v6  }
0x4f: {  	[tilespmem:s31+$0x10] =	vst v5  }
0x50: {  	v49 =	vld [tilespmem:s30+$0x430];
	[tilespmem:s31+$0x20] =	vst v3  }
0x51: {  	v50 =	vld [tilespmem:s30+$0xFFFFFFD0];
	[tilespmem:s31+$0x30] =	vst v4  }
0x52: {  	v51 =	vld [tilespmem:s30+$0xFFFFFFE0];
	[tilespmem:s31+$0x40] =	vst v1  }
0x53: {  	s0 =	sand.u32 $0x80, s1;
	s10 =	sadd.s32 s10, s24;
	v52 =	vld [tilespmem:s30+$0xFFFFFFF0];
	[tilespmem:s31+$0x50] =	vst v2  }
0x54: {  	v53 =	vld [tilespmem:s30+$0x0];
	s0 =	sadd.s32 s0, s10;
	s10 =	sadd.s32 $0x800, s31;
	[tilespmem:s31+$0xFFFFFBF0] =	vst v7  }
0x55: {  	v54 =	vld [tilespmem:s30+$0x10];
	[tilespmem:s10+$0x60] =	vst v49  }
0x56: {  	v55 =	vld [tilespmem:s30+$0x20];
	[tilespmem:s10+$0xFFFFFC00] =	vst v50  }
0x57: {  	v56 =	vld [tilespmem:s30+$0x30];
	[tilespmem:s10+$0xFFFFFC10] =	vst v51  }
0x58: {  	v57 =	vld [tilespmem:s30+$0x3D0];
	[tilespmem:s10+$0xFFFFFC20] =	vst v52  }
0x59: {  	v58 =	vld [tilespmem:s30+$0x3E0];
	[tilespmem:s10+$0xFFFFFC30] =	vst v53  }
0x5a: {  	v59 =	vld [tilespmem:s30+$0x3F0];
	[tilespmem:s10+$0xFFFFFC40] =	vst v54  }
0x5b: {  	v60 =	vld [tilespmem:s30+$0x400];
	[tilespmem:s10+$0xFFFFFC50] =	vst v55  }
0x5c: {  	v61 =	vld [tilespmem:s30+$0xFFFFFFC0];
	[tilespmem:s10+$0xFFFFFC60] =	vst v56  }
0x5d: {  	v62 =	vld [tilespmem:s30+$0x410];
	[tilespmem:s10+$0x0] =	vst v57  }
0x5e: {  	v63 =	vld [tilespmem:s30+$0x420];
	s28 =	sadd.s32 $0x1, s28;
	[tilespmem:s10+$0x10] =	vst v58  }
0x5f: {  	p1 =	sne.s32 s28, $0x8;
	v0 =	vld.idx.msk [tilespmem:v0+s0+$0x400 ss:$0x1], $0xffff;
	[tilespmem:s10+$0x20] =	vst v59  }
.Ltmp4:
0x60: {  	[tilespmem:s10+$0x30] =	vst v60;
	(pc) =	sbr.rel @p1 .LBB1_3-.Ltmp4, $4  }
0x61: {  	[tilespmem:s10+$0xFFFFFBF0] =	vst v61  }
0x62: {  	[tilespmem:s10+$0x40] =	vst v62  }
0x63: {  	s22 =	sadd.s32 $0x800, s22;
	s31 =	sadd.s32 $0x800, s29;
	[tilespmem:s10+$0x50] =	vst v63  }
0x64: {  	s27 =	sadd.s32 $0x80, s27;
	p0 =	por !p0, !p0;
	s23 =	sadd.s32 $0x80, s23;
	[tilespmem:s31+$0x0] =	vst v0  }
0x65: {  	s0 =	sand.u32 $0x78, s17;
	s1 =	sshll.u32 s20, $0x7;
	s10 =	sshll.u32 s20, $0xF  }
0x66: {  	s24 =	sshll.u32 s17, $0x3;
	s27 =	sshll.u32 s19, $0x13;
	s18 =	sshll.u32 s18, $0x10  }
0x67: {  	s28 =	sand.u32 $0x7, s17;
	s1 =	sand.u32 $0x380, s1;
	s10 =	sand.u32 $0x40000, s10  }
0x68: {  	s25 =	sand.u32 $0x7C00, s24;
	s0 =	sor.u32 s1, s0;
	s10 =	sadd.s32 s10, s24  }
.Ltmp5:
0x69: {  	s1 =	sadd.s32 s7, s27;
	s10 =	sshrl.u32 s10, $0x3;
	(pc) =	sbr.rel .LBB1_7-.Ltmp5, $4  }
0x6a: {  	s0 =	sor.u32 s25, s0;
	s1 =	sadd.s32 s18, s1;
	s10 =	sand.u32 $0xF000, s10  }
0x6b: {  	s29 =	sshll.u32 s28, $0x12;
	s0 =	sshrl.u32 s0, $0x3;
	s1 =	sadd.s32 s10, s1  }
0x6c: {  	s31 =	simm.s32 $0x80000;
	s30 =	sor.u32 $0x800, s29;
	s0 =	sadd.s32 s0, s1  }
0x6d: {  	[hbm4b:s0+s30] =	stream.strided.scatter [tilespmem:s21], [sflag:$0x2], $0x4000, s31, s30, $0x38;
	[tilespmem:$0x10000] =	vst v63  }
.LBB1_8:
0x6e: {  	_ =	sfence.sel $0x180000  }
0x6f: {  	s0 =	simm.s32 $0x1;
	[bflag:$0x0] =	sbarrier.arrive $0xFFFF  }
0x70: {  	s30 =	simm.s32 $0x2;
	[sflag:s0] =	ssyncpa.u1 $0x1  }
0x71: {  	[sflag:s30] =	ssyncpa.u1 $0x1  }
0x72: {  	_ =	strace $0x90000047  }
0x73: {  	s31 =	stileid.u32;
	[bflag:$0x2] =	sbarrier.arrive $0xFFFF  }
0x74: {  	p0 =	sne.s32 s31, $0x0;
	s0 =	rddreg [dreg:$0x2]  }
0x75: {  	s0 =	sadd.s32 @!p0 $0x100000, s0  }
0x76: {  	[sflag:s0] =	ssyncadd.tile.s32 @!p0 $0x1;
	_ =	shalt  }
.Lfunc_end1:
_tile_overlayer_lowered:
.L_overlay_start_2:
0x77: {  	(tag) =	ssettag $0x2  }
0x78: {  	s0 =	rddreg [dreg:$0x0];
	s2 =	stileid.u32  }
0x79: {  	s1 =	rddreg [dreg:$0x1];
	p0 =	sne.s32 s2, $0x0  }
0x7a: {  	s3 =	rddreg [dreg:$0x2];
	[bflag:$0x3] =	sbarrier.arrive $0xFFFF;
	s2 =	simm.s32 @!p0 $0x1C01  }
0x7b: {  	[timem:s3], [sflag:s2] =	dma.local @!p0 [hbm:s0], s1  }
0x7c: {  	s0 =	simm.s32 @!p0 $0x1  }
0x7d: {  	_ =	swait.ge @!p0 [sflag:s0], s1  }
0x7e: {  	s1 =	ssub.s32 @!p0 $0x0, s1;
	[sflag:s0] =	ssyncset.done @!p0 $0x0  }
0x7f: {  	[sflag:s0] =	ssyncadd.s32 @!p0 s1  }
0x80: {  	[bflag:$0x3] =	sbarrier.arrive $0xFFFF  }
0x81: {  	_ =	shalt  }

// kernel: sparse-core-data-format-call.cloned.1.call-start
scs
called_computation_lowered:
.L_overlay_start_0:
0x0: {  	s2 =	sld [smem:$0x3FD9]  }
0x1: {  	s3 =	sld [smem:$0x3FFE];
	_ =	sdelay $0x1  }
0x2: {  	s1 =	srdreg.scid  }
0x3: {  	s0 =	sand.u32 $0x1, s1  }
0x4: {  	s15 =	sshll.u32 s0, $0xA;
	s2 =	sadd.s32 s3, s2  }
0x5: {  	s2 =	sadd.s32 s2, s15  }
0x6: {  	[smem:$0x3FC3] =	sst s2  }
0x7: {  	_ = 	snop  }
0x8: {  	s2 =	sld [smem:$0x3FD0];
	_ =	sdelay $0x2  }
0x9: {  	s16 =	simm.s32 $0xA;
	s4 =	simm.s32 $0x10  }
0xa: {  	[smem:s4], [sflag:s16] =	dma.local [hbm:s2], $0x1  }
0xb: {  	_ =	swait.eq [sflag:s16], $0x1  }
0xc: {  	[sflag:s16] =	ssyncset.done $0x0  }
0xd: {  	[sflag:s16] =	ssyncadd.s32 $0xFFFFFFFF  }
0xe: {  	s17 =	sld [smem:$0x11];
	(tm) =	ssettm $0x1  }
0xf: {  	s18 =	sld [smem:$0x3FFB];
	_ =	sdelay $0x3  }
0x10: {  	_ =	strace s18  }
0x11: {  	s3 =	sld [smem:$0x3FFC];
	_ =	sdelay $0x3  }
0x12: {  	_ =	strace s3  }
0x13: {  	s3 =	sld [smem:$0x3FFD];
	_ =	sdelay $0x3  }
0x14: {  	_ =	strace s3  }
0x15: {  	_ =	strace $0x8FFFFFFF  }
0x16: {  	s19 =	sld [smem:$0x3FDB];
	_ =	sdelay $0x1  }
0x17: {  	s20 =	simm.s32 $_scs_section_size  }
0x18: {  	s5 =	simm.s32 $_size__tile_overlayer_lowered;
	s6 =	simm.s32 $_tile_overlayer_lowered  }
0x19: {  	s23 =	simm.s32 $0x1BFF;
	s22 =	sshll.u32 s6, $0x1;
	s3 =	sadd.s32 s20, s19  }
0x1a: {  	s7 =	simm.s32 $0x0;
	s21 =	sshll.u32 s5, $0x1;
	s5 =	sadd.s32 s22, s3  }
0x1b: {  	[timem:s7], [sflag:s23] =	dma.local [hbm:s5], s21  }
0x1c: {  	_ =	swait.ge [sflag:s23], s21  }
0x1d: {  	s4 =	ssub.s32 $0x0, s21;
	[sflag:s23] =	ssyncset.done $0x0  }
0x1e: {  	[sflag:s23] =	ssyncadd.s32 s4;
	_ =	sdelay $0x1  }
0x1f: {  	s24 =	simm.s32 $0x1B8B  }
0x20: {  	_ =	swait.ge [sflag:s24], $0x1  }
0x21: {  	[sflag:s24] =	ssyncset.done $0x0  }
0x22: {  	s26 =	simm.s32 $0x1B8E;
	s25 =	sld [smem:$0x3FFE];
	[sflag:s24] =	ssyncadd.s32 $0xFFFFFFFF  }
0x23: {  	s27 =	simm.s32 $execute0_lowered;
	[smem:$0x3FD2] =	sst s26  }
0x24: {  	s5 =	sshll.u32 s27, $0x1;
	_ =	strace $0x80000049;
	[dreg:$0x1] =	wrdreg $0xFFFFFFFF  }
0x25: {  	s28 =	simm.s32 $_size_execute0_lowered;
	s3 =	sadd.s32 s3, s5;
	[dreg:$0x0] =	wrdreg $0x0  }
0x26: {  	s5 =	sshll.u32 s28, $0x1;
	[dreg:$0x2] =	wrdreg s3  }
0x27: {  	[dreg:$0x3] =	wrdreg s5  }
0x28: {  	[dreg:$0x4] =	wrdreg $0xC0  }
0x29: {  	_ =	task [dreg:s7], $0x5FFFF  }
0x2a: {  	[dreg:$0x1] =	wrdreg $0xFFFFFFFF  }
0x2b: {  	[dreg:$0x0] =	wrdreg $0x60  }
0x2c: {  	[dreg:$0x2] =	wrdreg s25  }
0x2d: {  	[dreg:$0x3] =	wrdreg s17  }
0x2e: {  	[dreg:$0x4] =	wrdreg $0x9  }
0x2f: {  	_ =	task.clear_ibuf [dreg:s7], $0x5FFFF;
	_ =	strace $0x90000049  }
0x30: {  	s29 =	simm.s32 $0x9;
	_ =	strace $0x8000004B  }
0x31: {  	_ =	swait.ge [sflag:s29], $0x1  }
0x32: {  	[sflag:s29] =	ssyncadd.s32 $0xFFFFFFFF  }
0x33: {  	_ =	strace $0x9000004B  }
0x34: {  	_ =	sfence  }
0x35: {  	s30 =	sld [smem:$0x0];
	_ =	sdelay $0x2  }
0x36: {  	s31 =	sshll.u32 s1, $0xD;
	s1 =	sshrl.u32 s1, $0x2  }
0x37: {  	s3 =	sand.u32 $0x4000, s31;
	s1 =	sadd.s32 s1, s30  }
0x38: {  	s0 =	sor.u32 s3, s0;
	s1 =	sshll.u32 s1, $0x11  }
0x39: {  	s0 =	sor.u32 s1, s0  }
0x3a: {  	s0 =	sadd.s32 $0x8F2B, s0  }
0x3b: {  	[sflag:s0] =	ssyncadd.remote.s32 $0x1  }
0x3c: {  	_ =	sfence.sel $0xFFFF  }
0x3d: {  	[dreg:$0x0] =	wrdreg $0xFFFFFFFF;
	(pc) =	sbr.abs _section_cstart, $3  }
0x3e: {  	[dreg:$0x1] =	wrdreg $0xFFFFFFFF  }
0x3f: {  	_ =	task.clear_ibuf [dreg:s7], $0x2FFFF;
	_ =	strace $0x9FFFFFFF  }
0x40: {  	(tm) =	ssettm $0x7FFFFFFF  }
0x41: {  	_ =	shalt  }
tec
execute0_lowered:
.L_overlay_start_1:
0x0: {  	(tag) =	ssettag $0x1  }
0x1: {  	s0 =	rddreg [dreg:$0x0];
	s1 =	srdreg.scid  }
0x2: {  	s8 =	stileid.u32;
	_ =	strace $0x8000004A;
	s9 =	simm.s32 $0x2  }
0x3: {  	s17 =	simm.s32 $0x0;
	s10 =	simm.s32 $0x200000;
	s11 =	simm.s32 $0x0  }
0x4: {  	s18 =	simm.s32 $0x0;
	s20 =	simm.s32 $0x0;
	s19 =	simm.s32 $0x0  }
0x5: {  	s14 =	simm.s32 $0x0;
	s1 =	sshll.u32 s1, $0x8;
	s3 =	sand.u32 $0x8, s8  }
0x6: {  	s16 =	simm.s32 $0x0;
	s4 =	sand.u32 $0x100, s1;
	s31 =	ssub.s32 $0x10, s3  }
0x7: {  	s26 =	simm.s32 $0x0;
	s2 =	ssub.s32 $0x8000, s4;
	s1 =	sshrl.u32 s31, $0x3  }
0x8: {  	s6 =	sshrl.u32 s31, $0x4;
	s5 =	sshrl.u32 s2, $0x8;
	s1 =	sand.u32 $0x1, s1  }
.Ltmp0:
0x9: {  	s2 =	sshrl.u32 s2, $0x9;
	s7 =	sand.u32 $0x1, s5;
	(pc) =	sbr.rel .LBB1_1-.Ltmp0, $4  }
0xa: {  	s8 =	sand.u32 $0x7, s8;
	s1 =	sadd.s32 s6, s1;
	s2 =	sadd.s32 s2, s7  }
0xb: {  	s13 =	smov.u32 s3;
	s5 =	simm.s32 $0x1;
	s6 =	smul.u32 s1, s2  }
0xc: {  	s15 =	smov.u32 s8;
	s12 =	smov.u32 s4;
	[sflag:s5] =	ssyncpa.u1 $0x0  }
0xd: {  	s7 =	sadd.s32 $0x14800, s0;
	[sflag:s9] =	ssyncpa.u1 $0x0;
	s9 =	sadd.s32 $0x1, s6  }
.LBB1_7:
0xe: {  	s0 =	sadd.s32 $0x200, s12  }
0xf: {  	s1 =	sadd.s32 $0x10, s13;
	s2 =	smov.u32 s13;
	p1 =	sgt.s32 s0, $0x7FFF  }
0x10: {  	s2 =	smov.u32 @p1 s1  }
0x11: {  	s21 =	smov.u32 s14;
	s1 =	sadd.s32 $0x8, s14;
	p2 =	sgt.s32 s2, $0xF  }
0x12: {  	s21 =	smov.u32 @p2 s1  }
0x13: {  	s22 =	smov.u32 s15;
	s1 =	sadd.s32 $0x8, s15;
	p3 =	sgt.s32 s21, $0x7  }
0x14: {  	p0 =	slt.u32 s16, $0x2;
	s22 =	smov.u32 @p3 s1  }
0x15: {  	s17 =	smov.u32 s12;
	s0 =	smov.u32 @p1 s4;
	p1 =	sgt.s32 s22, $0x7  }
0x16: {  	s18 =	smov.u32 s13;
	s22 =	smov.u32 @p1 s8;
	p1 =	sne.s32 s16, s9  }
.Ltmp1:
0x17: {  	s20 =	smov.u32 s14;
	s19 =	smov.u32 s15;
	(pc) =	sbr.rel @!p1 .LBB1_8-.Ltmp1, $4  }
0x18: {  	s11 =	sadd.s32 $0x4000, s11;
	s12 =	smov.u32 s0;
	s1 =	simm.s32 @!p0 $0x2  }
0x19: {  	s2 =	smov.u32 @p2 s3;
	s21 =	simm.s32 @p3 $0x0;
	_ =	swait.ge @!p0 [sflag:s1], $0x4000  }
0x1a: {  	s13 =	smov.u32 s2;
	s14 =	smov.u32 s21;
	[sflag:s1] =	ssyncset.done @!p0 $0x0  }
0x1b: {  	s16 =	sadd.s32 $0x1, s16;
	[sflag:s1] =	ssyncadd.s32 @!p0 $0xFFFFC000;
	s15 =	smov.u32 s22  }
.LBB1_1:
0x1c: {  	p0 =	sge.u32 s16, s6  }
0x1d: {  	s31 =	sadd.s32 $0xFFFFFFFF, s16;
	s0 =	sxor.u32 @!p0 $0xFFFFFFFF, s16;
	s1 =	sand.u32 @!p0 $0x78, s12  }
0x1e: {  	s2 =	sshll.u32 @!p0 s13, $0x7;
	s21 =	sshll.u32 @!p0 s13, $0xF;
	s22 =	sshll.u32 @!p0 s12, $0x3  }
0x1f: {  	s0 =	sshll.u32 @!p0 s0, $0xE;
	s2 =	sand.u32 @!p0 $0x380, s2;
	s21 =	sand.u32 @!p0 $0x40000, s21  }
0x20: {  	s0 =	sand.u32 @!p0 $0x4000, s0;
	s1 =	sor.u32 @!p0 s2, s1;
	s2 =	sand.u32 @!p0 $0x7C00, s22  }
0x21: {  	s21 =	sadd.s32 @!p0 s21, s22;
	s1 =	sor.u32 @!p0 s2, s1;
	s2 =	sshll.u32 @!p0 s15, $0x13  }
0x22: {  	s22 =	sshll.u32 @!p0 s14, $0x10;
	s21 =	sshrl.u32 @!p0 s21, $0x3;
	s2 =	sadd.s32 @!p0 s7, s2  }
0x23: {  	s21 =	sand.u32 @!p0 $0xF000, s21;
	s2 =	sadd.s32 @!p0 s22, s2;
	s22 =	sand.u32 @!p0 $0x7, s12  }
0x24: {  	s1 =	sshrl.u32 @!p0 s1, $0x3;
	s2 =	sadd.s32 @!p0 s21, s2;
	s21 =	sshll.u32 @!p0 s22, $0x12  }
0x25: {  	s1 =	sadd.s32 @!p0 s1, s2;
	s2 =	sor.u32 @!p0 $0x800, s21;
	s21 =	simm.s32 @!p0 $0x80000  }
0x26: {  	[tilespmem:s0], [sflag:$0x1] =	stream.strided.gather @!p0 [hbm4b:s1+s2], $0x4000, s21, s2, $0x38;
	[tilespmem:$0x10000] =	vst v63  }
0x27: {  	p0 =	sge.u32 s31, s6  }
.Ltmp2:
0x28: {  	_ = 	snop;
	(pc) =	sbr.rel @p0 .LBB1_7-.Ltmp2, $1  }
0x29: {  	_ =	sdelay $0x3  }
0x2a: {  	s0 =	sshll.u32 s11, $0x2;
	_ =	swait.ge [sflag:s5], $0x4000;
	s1 =	sshll.u32 s16, $0xE  }
0x2b: {  	p0 =	por $0x0, $0x0;
	s27 =	simm.s32 $0x0;
	s28 =	simm.s32 $0x0  }
0x2c: {  	s0 =	sand.u32 $0x10000, s0;
	[sflag:s5] =	ssyncset.done $0x0;
	s24 =	sand.u32 $0x4000, s1  }
0x2d: {  	s0 =	sshrl.u32 s0, $0x2;
	[sflag:s5] =	ssyncadd.s32 $0xFFFFC000;
	s21 =	sor.u32 $0x8000, s24  }
0x2e: {  	s22 =	sor.u32 $0x40, s0;
	s23 =	sor.u32 $0x8410, s0;
	s25 =	sadd.s32 $0x8400, s0  }
.LBB1_3:
0x2f: {  	v1 =	vld [tilespmem:s22+$0xFFFFFFD0]  }
0x30: {  	v2 =	vld [tilespmem:s22+$0x430]  }
0x31: {  	s0 =	sshll.u32 s28, $0xB;
	v4 =	vld [tilespmem:s22+$0xFFFFFFE0]  }
0x32: {  	v7 =	vld [tilespmem:s22+$0xFFFFFFF0];
	v0 =	vmov s0  }
0x33: {  	v8 =	vld [tilespmem:s22+$0x0]  }
0x34: {  	s2 =	sand.u32 $0x300, s26;
	v9 =	vld [tilespmem:s22+$0x10]  }
0x35: {  	s1 =	sand.u32 $0x80, s26;
	v10 =	vld [tilespmem:s22+$0x20];
	s0 =	sadd.s32 s2, s24  }
0x36: {  	v11 =	vld [tilespmem:s22+$0x30];
	s0 =	sadd.s32 s1, s0;
	s1 =	simm.s32 $0x1;
	[tilespmem:s23+$0x60] =	vst v2  }
0x37: {  	s2 =	sshll.u32 s27, $0x2;
	s1 =	simm.s32 @!p0 $0x0;
	[tilespmem:s23+$0xFFFFFC00] =	vst v1;
	v3 =	vld.idx.msk [tilespmem:v0+s0+$0x400 ss:$0x1], $0xffff  }
0x38: {  	v6 =	vld [tilespmem:s22+$0x3D0];
	s1 =	sshll.u32 s1, $0x9;
	[tilespmem:s23+$0xFFFFFC10] =	vst v4;
	s0 =	sand.u32 $0xFFFFFC00, s2  }
0x39: {  	v5 =	vld [tilespmem:s22+$0x3E0];
	[tilespmem:s23+$0xFFFFFC20] =	vst v7;
	s0 =	sor.u32 s1, s0  }
0x3a: {  	[tilespmem:s23+$0xFFFFFC30] =	vst v8;
	v4 =	vld [tilespmem:s22+$0x400];
	s0 =	sshrl.u32 s0, $0x2  }
0x3b: {  	[tilespmem:s23+$0xFFFFFC40] =	vst v9;
	v1 =	vld [tilespmem:s22+$0x410];
	s29 =	sadd.s32 s0, s25  }
0x3c: {  	[tilespmem:s29+$0x0] =	vst v3;
	v3 =	vld [tilespmem:s22+$0x3F0]  }
0x3d: {  	s30 =	sadd.s32 $0x80, s22;
	[tilespmem:s23+$0xFFFFFC50] =	vst v10;
	v2 =	vld [tilespmem:s22+$0x420];
	s1 =	simm.s32 $0x80  }
0x3e: {  	s31 =	smov.u32 s23;
	v7 =	vld [tilespmem:s22+$0xFFFFFFC0];
	[tilespmem:s23+$0xFFFFFC60] =	vst v11;
	s2 =	sand.u32 $0x300, s1;
	s0 =	simm.s32 $0x100  }
.LBB1_4:
0x3f: {  	p1 =	sne.s32 s0, $0x380;
	v8 =	vld [tilespmem:s30+$0xFFFFFFD0];
	s1 =	sand.u32 $0x80, s1;
	s2 =	sadd.s32 s2, s24;
	[tilespmem:s31+$0x0] =	vst v6  }
0x40: {  	s2 =	sadd.s32 s1, s2;
	v6 =	vld [tilespmem:s30+$0x430];
	[tilespmem:s31+$0x10] =	vst v5;
	s1 =	smov.u32 s0  }
0x41: {  	v5 =	vld.idx.msk [tilespmem:v0+s2+$0x400 ss:$0x1], $0xffff;
	[tilespmem:s31+$0x20] =	vst v3  }
0x42: {  	v3 =	vld [tilespmem:s30+$0xFFFFFFE0];
	[tilespmem:s31+$0x30] =	vst v4  }
0x43: {  	v4 =	vld [tilespmem:s30+$0xFFFFFFF0];
	[tilespmem:s31+$0xFFFFFBF0] =	vst v7  }
0x44: {  	v7 =	vld [tilespmem:s30+$0x0];
	[tilespmem:s31+$0x40] =	vst v1  }
0x45: {  	v1 =	vld [tilespmem:s30+$0x10];
	[tilespmem:s31+$0x50] =	vst v2;
	s31 =	sadd.s32 $0x800, s31  }
0x46: {  	s29 =	sadd.s32 $0x800, s29;
	v2 =	vld [tilespmem:s30+$0x20];
	[tilespmem:s31+$0x60] =	vst v6  }
0x47: {  	v9 =	vld [tilespmem:s30+$0x30];
	[tilespmem:s29+$0x0] =	vst v5  }
0x48: {  	[tilespmem:s31+$0xFFFFFC00] =	vst v8;
	v6 =	vld [tilespmem:s30+$0x3D0]  }
0x49: {  	[tilespmem:s31+$0xFFFFFC10] =	vst v3;
	v5 =	vld [tilespmem:s30+$0x3E0]  }
.Ltmp3:
0x4a: {  	[tilespmem:s31+$0xFFFFFC20] =	vst v4;
	v3 =	vld [tilespmem:s30+$0x3F0];
	(pc) =	sbr.rel @p1 .LBB1_4-.Ltmp3, $4  }
0x4b: {  	[tilespmem:s31+$0xFFFFFC30] =	vst v7;
	v4 =	vld [tilespmem:s30+$0x400]  }
0x4c: {  	[tilespmem:s31+$0xFFFFFC40] =	vst v1;
	v1 =	vld [tilespmem:s30+$0x410]  }
0x4d: {  	[tilespmem:s31+$0xFFFFFC50] =	vst v2;
	v2 =	vld [tilespmem:s30+$0x420]  }
0x4e: {  	s0 =	sadd.s32 $0x80, s0;
	s2 =	sand.u32 $0x300, s1;
	v7 =	vld [tilespmem:s30+$0xFFFFFFC0];
	[tilespmem:s31+$0xFFFFFC60] =	vst v9;
	s30 =	sadd.s32 $0x80, s30  }
0x4f: {  	[tilespmem:s31+$0x0] =	vst v6  }
0x50: {  	[tilespmem:s31+$0x10] =	vst v5  }
0x51: {  	v49 =	vld [tilespmem:s30+$0x430];
	[tilespmem:s31+$0x20] =	vst v3  }
0x52: {  	v50 =	vld [tilespmem:s30+$0xFFFFFFD0];
	[tilespmem:s31+$0x30] =	vst v4  }
0x53: {  	v51 =	vld [tilespmem:s30+$0xFFFFFFE0];
	[tilespmem:s31+$0x40] =	vst v1  }
0x54: {  	s0 =	sand.u32 $0x80, s1;
	s2 =	sadd.s32 s2, s24;
	v52 =	vld [tilespmem:s30+$0xFFFFFFF0];
	[tilespmem:s31+$0x50] =	vst v2  }
0x55: {  	v53 =	vld [tilespmem:s30+$0x0];
	s0 =	sadd.s32 s0, s2;
	s2 =	sadd.s32 $0x800, s31;
	[tilespmem:s31+$0xFFFFFBF0] =	vst v7  }
0x56: {  	v54 =	vld [tilespmem:s30+$0x10];
	[tilespmem:s2+$0x60] =	vst v49  }
0x57: {  	v55 =	vld [tilespmem:s30+$0x20];
	[tilespmem:s2+$0xFFFFFC00] =	vst v50  }
0x58: {  	v56 =	vld [tilespmem:s30+$0x30];
	[tilespmem:s2+$0xFFFFFC10] =	vst v51  }
0x59: {  	v57 =	vld [tilespmem:s30+$0x3D0];
	[tilespmem:s2+$0xFFFFFC20] =	vst v52  }
0x5a: {  	v58 =	vld [tilespmem:s30+$0x3E0];
	[tilespmem:s2+$0xFFFFFC30] =	vst v53  }
0x5b: {  	v59 =	vld [tilespmem:s30+$0x3F0];
	[tilespmem:s2+$0xFFFFFC40] =	vst v54  }
0x5c: {  	v60 =	vld [tilespmem:s30+$0x400];
	[tilespmem:s2+$0xFFFFFC50] =	vst v55  }
0x5d: {  	v61 =	vld [tilespmem:s30+$0xFFFFFFC0];
	[tilespmem:s2+$0xFFFFFC60] =	vst v56  }
0x5e: {  	v62 =	vld [tilespmem:s30+$0x410];
	[tilespmem:s2+$0x0] =	vst v57  }
0x5f: {  	v63 =	vld [tilespmem:s30+$0x420];
	s28 =	sadd.s32 $0x1, s28;
	[tilespmem:s2+$0x10] =	vst v58  }
0x60: {  	p1 =	sne.s32 s28, $0x8;
	v0 =	vld.idx.msk [tilespmem:v0+s0+$0x400 ss:$0x1], $0xffff;
	[tilespmem:s2+$0x20] =	vst v59  }
.Ltmp4:
0x61: {  	[tilespmem:s2+$0x30] =	vst v60;
	(pc) =	sbr.rel @p1 .LBB1_3-.Ltmp4, $4  }
0x62: {  	[tilespmem:s2+$0xFFFFFBF0] =	vst v61  }
0x63: {  	[tilespmem:s2+$0x40] =	vst v62  }
0x64: {  	s22 =	sadd.s32 $0x800, s22;
	s31 =	sadd.s32 $0x800, s29;
	[tilespmem:s2+$0x50] =	vst v63  }
0x65: {  	s27 =	sadd.s32 $0x80, s27;
	p0 =	por !p0, !p0;
	s23 =	sadd.s32 $0x80, s23;
	[tilespmem:s31+$0x0] =	vst v0  }
0x66: {  	s0 =	sshll.u32 s20, $0x7;
	s1 =	sand.u32 $0x78, s17;
	s2 =	sshll.u32 s17, $0x3  }
0x67: {  	s25 =	sshll.u32 s19, $0xF;
	s27 =	sshll.u32 s18, $0x12;
	s28 =	rddreg [dreg:$0x1]  }
0x68: {  	s29 =	sand.u32 $0x7000, s17;
	s0 =	sand.u32 $0x380, s0;
	s2 =	sand.u32 $0x7C00, s2  }
.Ltmp5:
0x69: {  	s0 =	sor.u32 s0, s1;
	s1 =	sadd.s32 s28, s25;
	(pc) =	sbr.rel .LBB1_7-.Ltmp5, $4  }
0x6a: {  	s30 =	sand.u32 $0x7, s17;
	s0 =	sor.u32 s2, s0;
	s1 =	sadd.s32 s27, s1  }
0x6b: {  	s2 =	sshll.u32 s30, $0x12;
	s0 =	sshrl.u32 s0, $0x3;
	s1 =	sadd.s32 s29, s1  }
0x6c: {  	s31 =	sor.u32 $0x800, s2;
	s0 =	sadd.s32 s0, s1  }
0x6d: {  	[hbm4b:s0+s31] =	stream.strided.scatter [tilespmem:s21], [sflag:$0x2], $0x4000, s10, s31, $0x38;
	[tilespmem:$0x10000] =	vst v63  }
.LBB1_8:
0x6e: {  	_ =	sfence.sel $0x180000  }
0x6f: {  	s0 =	simm.s32 $0x1;
	[bflag:$0x0] =	sbarrier.arrive $0xFFFF  }
0x70: {  	s30 =	simm.s32 $0x2;
	[sflag:s0] =	ssyncpa.u1 $0x1  }
0x71: {  	[sflag:s30] =	ssyncpa.u1 $0x1  }
0x72: {  	_ =	strace $0x9000004A  }
0x73: {  	s31 =	stileid.u32;
	[bflag:$0x2] =	sbarrier.arrive $0xFFFF  }
0x74: {  	p0 =	sne.s32 s31, $0x0;
	s0 =	rddreg [dreg:$0x2]  }
0x75: {  	s0 =	sadd.s32 @!p0 $0x100000, s0  }
0x76: {  	[sflag:s0] =	ssyncadd.tile.s32 @!p0 $0x1;
	_ =	shalt  }
.Lfunc_end1:
_tile_overlayer_lowered:
.L_overlay_start_2:
0x77: {  	(tag) =	ssettag $0x2  }
0x78: {  	s0 =	rddreg [dreg:$0x0];
	s2 =	stileid.u32  }
0x79: {  	s1 =	rddreg [dreg:$0x1];
	p0 =	sne.s32 s2, $0x0  }
0x7a: {  	s3 =	rddreg [dreg:$0x2];
	[bflag:$0x3] =	sbarrier.arrive $0xFFFF;
	s2 =	simm.s32 @!p0 $0x1C01  }
0x7b: {  	[timem:s3], [sflag:s2] =	dma.local @!p0 [hbm:s0], s1  }
0x7c: {  	s0 =	simm.s32 @!p0 $0x1  }
0x7d: {  	_ =	swait.ge @!p0 [sflag:s0], s1  }
0x7e: {  	s1 =	ssub.s32 @!p0 $0x0, s1;
	[sflag:s0] =	ssyncset.done @!p0 $0x0  }
0x7f: {  	[sflag:s0] =	ssyncadd.s32 @!p0 s1  }
0x80: {  	[bflag:$0x3] =	sbarrier.arrive $0xFFFF  }
0x81: {  	_ =	shalt  }

</sc_bundles>
